<compile_context>
chip_gen: v7x
topology: tpu7x:2x2x1
jax: 0.10.2.dev20260603
libtpu: 0.0.44.dev20260713+nightly
codegen_flags: <defaults>
</compile_context>

<pallas_src>
import functools

import jax
import jax.numpy as jnp
from jax import lax
from jax.experimental import pallas as pl
from jax.experimental.pallas import tpu as pltpu
from jax.experimental.pallas import tpu_sc as plsc

QS = 16384
NB_ROWS = 4096
ROW = 16 * 8 * 8
TAIL = QS - NB_ROWS
NW = 32
RPW = NB_ROWS // NW
CH = 32
NCH = RPW // CH
NBUF = 3
BLK = 2048
TGRID = TAIL // BLK
TOFF = NB_ROWS // BLK


def _ring_copy(src, dst, base, bufs, in_sem, out_sem):

    def in_copy(c):
        k = c % NBUF
        return pltpu.make_async_copy(
            src.at[pl.ds(base + c * CH, CH)], bufs[k], in_sem.at[k]
        )

    def out_copy(c):
        k = c % NBUF
        return pltpu.make_async_copy(
            bufs[k], dst.at[pl.ds(base + c * CH, CH)], out_sem.at[k]
        )

    for c in range(min(NBUF - 1, NCH)):
        in_copy(c).start()
    for c in range(NCH):
        if c + NBUF - 1 < NCH:
            if c >= 1:
                out_copy(c - 1).wait()
            in_copy(c + NBUF - 1).start()
        in_copy(c).wait()
        out_copy(c).start()
    for c in range(max(NCH - NBUF, 0), NCH):
        out_copy(c).wait()


def _sc_scatter_head(bf, bl, lab, out, lab_out, s0, s1, s2, in_sem, out_sem, lsem):
    sid = lax.axis_index("s")
    wid = sid * 2 + lax.axis_index("c")
    base = wid * RPW
    bufs = (s0.at[sid], s1.at[sid], s2.at[sid])

    _ring_copy(bf, out, base, bufs, in_sem, out_sem)

    @pl.when(wid == 0)
    def _():
        pltpu.async_copy(bl, lab_out.at[pl.ds(0, NB_ROWS)], lsem).wait()

    @pl.when(wid == 1)
    def _():
        pltpu.async_copy(
            lab.at[pl.ds(NB_ROWS, TAIL)], lab_out.at[pl.ds(NB_ROWS, TAIL)], lsem
        ).wait()


def _tc_tail_copy(f_ref, head_ref, out_ref):
    del head_ref
    out_ref[...] = f_ref[...]


def kernel(batch_features, batch_labels, features, labels):
    bf = batch_features.reshape(NB_ROWS, ROW)
    f = features.reshape(QS, ROW)
    mesh = plsc.VectorSubcoreMesh(core_axis_name="c", subcore_axis_name="s")
    sc_run = functools.partial(
        pl.kernel,
        _sc_scatter_head,
        out_type=[
            jax.ShapeDtypeStruct((QS, ROW), jnp.float32),
            jax.ShapeDtypeStruct((QS,), jnp.int32),
        ],
        mesh=mesh,
        scratch_types=[
            pltpu.MemorySpace.VMEM_SHARED((16, CH, ROW), jnp.float32),
            pltpu.MemorySpace.VMEM_SHARED((16, CH, ROW), jnp.float32),
            pltpu.MemorySpace.VMEM_SHARED((16, CH, ROW), jnp.float32),
            pltpu.SemaphoreType.DMA((NBUF,)),
            pltpu.SemaphoreType.DMA((NBUF,)),
            pltpu.SemaphoreType.DMA,
        ],
    )()
    out_head, lab_out = sc_run(bf, batch_labels, labels)
    out = pl.pallas_call(
        _tc_tail_copy,
        grid=(TGRID,),
        in_specs=[
            pl.BlockSpec((BLK, ROW), lambda i: (i + TOFF, 0)),
            pl.BlockSpec(memory_space=pltpu.MemorySpace.HBM),
        ],
        out_specs=pl.BlockSpec((BLK, ROW), lambda i: (i + TOFF, 0)),
        out_shape=jax.ShapeDtypeStruct((QS, ROW), jnp.float32),
        input_output_aliases={1: 0},
    )(f, out_head)
    return out.reshape(QS, 16, 8, 8), lab_out

# --- scband reference (transcript-rebuilt; emitter-appended) ---
"""Pipeline reference for scband-key-memory-21981642621229 (READ-ONLY COPY).

The authoritative reference and input builder live on the scoring server;
editing this copy changes nothing except your own understanding.
"""

import math
import jax, jax.numpy as jnp
import numpy as np

QUEUE_SIZE = 16384
N_RKHS = 16
N_DIMS = 8
BATCH = 4096


def setup_inputs(seed: int = 0) -> dict:
    key = jax.random.key(seed)
    k1, k2, k3 = jax.random.split(key, 3)
    stdv = 1.0 / math.sqrt(N_RKHS * N_DIMS * N_DIMS / 3)
    # register_buffer('features', rand(...).mul_(2*stdv).add_(-stdv))
    features = jax.random.uniform(k1, (QUEUE_SIZE, N_RKHS, N_DIMS, N_DIMS), dtype=jnp.float32) * (2.0 * stdv) - stdv
    # register_buffer('labels', tensor([-1]*queue_size))
    labels = jnp.full((QUEUE_SIZE,), -1, dtype=jnp.int32)
    batch_features = jax.random.normal(k2, (BATCH, N_RKHS, N_DIMS, N_DIMS), dtype=jnp.float32)
    batch_labels = jax.random.randint(k3, (BATCH,), 0, 1000, dtype=jnp.int32)
    return {
        "batch_features": batch_features,
        "batch_labels": batch_labels,
        "features": features,
        "labels": labels,
    }


def reference(batch_features, batch_labels, features, labels):
    # Faithful translation of KeyMemory.store_keys with self.index = 0 (fresh module),
    # followed by get_queue() returning the updated buffers.
    batch_size = batch_features.shape[0]
    index = 0
    new_indices = (jnp.arange(batch_size, dtype=jnp.int32) + index) % QUEUE_SIZE
    # index_copy_ -> scatter overwrite
    features_out = features.at[new_indices].set(batch_features)
    labels_out = labels.at[new_indices].set(batch_labels)
    return (features_out, labels_out)

if __name__ == "__main__":
    import jax
    _d = setup_inputs()
    print(jax.jit(kernel)(*tuple(_d.values())))

</pallas_src>

<mosaic_0001>
#map = affine_map<(d0, d1) -> (0, 0)>
#map1 = affine_map<(d0, d1) -> (0)>
module attributes {stable_mosaic.version = 14 : i64} {
  func.func @_sc_scatter_head(%arg0: i32, %arg1: i32, %arg2: memref<4096x1024xf32, #tpu.memory_space<hbm>>, %arg3: memref<4096xi32, #tpu.memory_space<hbm>>, %arg4: memref<16384xi32, #tpu.memory_space<hbm>>, %arg5: memref<16384x1024xf32, #tpu.memory_space<hbm>>, %arg6: memref<16384xi32, #tpu.memory_space<hbm>>, %arg7: memref<16x32x1024xf32, #tpu.memory_space<vmem_shared>>, %arg8: memref<16x32x1024xf32, #tpu.memory_space<vmem_shared>>, %arg9: memref<16x32x1024xf32, #tpu.memory_space<vmem_shared>>, %arg10: memref<3x!tpu.dma_semaphore, #tpu.memory_space<semaphore_mem>>, %arg11: memref<3x!tpu.dma_semaphore, #tpu.memory_space<semaphore_mem>>, %arg12: memref<!tpu.dma_semaphore, #tpu.memory_space<semaphore_mem>>) attributes {dimension_semantics = [#tpu.dimension_semantics<core_parallel>, #tpu.dimension_semantics<subcore_parallel>], iteration_bounds = array<i64: 2, 16>, scalar_prefetch = 0 : i64, scratch_operands = 6 : i64, tpu.core_type = #tpu.core_type<sc_vector_subcore>, window_params = [{transform_indices = #map}, {transform_indices = #map1}, {transform_indices = #map1}, {transform_indices = #map}, {transform_indices = #map1}]} {
    %mul3A = arith.constant 2 : i32
    %mul3A_0 = arith.muli %arg1, %mul3A : i32
    %add3A = arith.addi %mul3A_0, %arg0 : i32
    %mul3A_1 = arith.constant 128 : i32
    %mul3A_2 = arith.muli %add3A, %mul3A_1 : i32
    %add3A_3 = arith.constant 0 : i32
    %add3A_4 = arith.addi %mul3A_2, %add3A_3 : i32
    %dma_start3A = arith.constant 0 : i32
    %dma_start3A_5 = tpu.memref_slice %arg10[%dma_start3A] : memref<3x!tpu.dma_semaphore, #tpu.memory_space<semaphore_mem>> -> memref<1x!tpu.dma_semaphore, #tpu.memory_space<semaphore_mem>>
    %dma_start3A_6 = tpu.memref_squeeze %dma_start3A_5 : memref<1x!tpu.dma_semaphore, #tpu.memory_space<semaphore_mem>> -> memref<!tpu.dma_semaphore, #tpu.memory_space<semaphore_mem>>
    %dma_start3A_7 = arith.constant 0 : i32
    %dma_start3A_8 = arith.constant 0 : i32
    %dma_start3A_9 = tpu.memref_slice %arg7[%arg1, %dma_start3A_7, %dma_start3A_8] : memref<16x32x1024xf32, #tpu.memory_space<vmem_shared>> -> memref<1x32x1024xf32, #tpu.memory_space<vmem_shared>>
    %dma_start3A_10 = tpu.memref_squeeze %dma_start3A_9 : memref<1x32x1024xf32, #tpu.memory_space<vmem_shared>> -> memref<32x1024xf32, #tpu.memory_space<vmem_shared>>
    %dma_start3A_11 = arith.constant 0 : i32
    %dma_start3A_12 = tpu.memref_slice %arg2[%add3A_4, %dma_start3A_11] : memref<4096x1024xf32, #tpu.memory_space<hbm>> -> memref<32x1024xf32, #tpu.memory_space<hbm>>
    tpu.enqueue_dma source(%dma_start3A_12 : memref<32x1024xf32, #tpu.memory_space<hbm>>) target(%dma_start3A_10 : memref<32x1024xf32, #tpu.memory_space<vmem_shared>>) target_semaphore(%dma_start3A_6 : memref<!tpu.dma_semaphore, #tpu.memory_space<semaphore_mem>>)
    %add3A_13 = arith.constant 32 : i32
    %add3A_14 = arith.addi %mul3A_2, %add3A_13 : i32
    %dma_start3A_15 = arith.constant 1 : i32
    %dma_start3A_16 = tpu.memref_slice %arg10[%dma_start3A_15] : memref<3x!tpu.dma_semaphore, #tpu.memory_space<semaphore_mem>> -> memref<1x!tpu.dma_semaphore, #tpu.memory_space<semaphore_mem>>
    %dma_start3A_17 = tpu.memref_squeeze %dma_start3A_16 : memref<1x!tpu.dma_semaphore, #tpu.memory_space<semaphore_mem>> -> memref<!tpu.dma_semaphore, #tpu.memory_space<semaphore_mem>>
    %dma_start3A_18 = arith.constant 0 : i32
    %dma_start3A_19 = arith.constant 0 : i32
    %dma_start3A_20 = tpu.memref_slice %arg8[%arg1, %dma_start3A_18, %dma_start3A_19] : memref<16x32x1024xf32, #tpu.memory_space<vmem_shared>> -> memref<1x32x1024xf32, #tpu.memory_space<vmem_shared>>
    %dma_start3A_21 = tpu.memref_squeeze %dma_start3A_20 : memref<1x32x1024xf32, #tpu.memory_space<vmem_shared>> -> memref<32x1024xf32, #tpu.memory_space<vmem_shared>>
    %dma_start3A_22 = arith.constant 0 : i32
    %dma_start3A_23 = tpu.memref_slice %arg2[%add3A_14, %dma_start3A_22] : memref<4096x1024xf32, #tpu.memory_space<hbm>> -> memref<32x1024xf32, #tpu.memory_space<hbm>>
    tpu.enqueue_dma source(%dma_start3A_23 : memref<32x1024xf32, #tpu.memory_space<hbm>>) target(%dma_start3A_21 : memref<32x1024xf32, #tpu.memory_space<vmem_shared>>) target_semaphore(%dma_start3A_17 : memref<!tpu.dma_semaphore, #tpu.memory_space<semaphore_mem>>)
    %add3A_24 = arith.constant 64 : i32
    %add3A_25 = arith.addi %mul3A_2, %add3A_24 : i32
    %dma_start3A_26 = arith.constant 2 : i32
    %dma_start3A_27 = tpu.memref_slice %arg10[%dma_start3A_26] : memref<3x!tpu.dma_semaphore, #tpu.memory_space<semaphore_mem>> -> memref<1x!tpu.dma_semaphore, #tpu.memory_space<semaphore_mem>>
    %dma_start3A_28 = tpu.memref_squeeze %dma_start3A_27 : memref<1x!tpu.dma_semaphore, #tpu.memory_space<semaphore_mem>> -> memref<!tpu.dma_semaphore, #tpu.memory_space<semaphore_mem>>
    %dma_start3A_29 = arith.constant 0 : i32
    %dma_start3A_30 = arith.constant 0 : i32
    %dma_start3A_31 = tpu.memref_slice %arg9[%arg1, %dma_start3A_29, %dma_start3A_30] : memref<16x32x1024xf32, #tpu.memory_space<vmem_shared>> -> memref<1x32x1024xf32, #tpu.memory_space<vmem_shared>>
    %dma_start3A_32 = tpu.memref_squeeze %dma_start3A_31 : memref<1x32x1024xf32, #tpu.memory_space<vmem_shared>> -> memref<32x1024xf32, #tpu.memory_space<vmem_shared>>
    %dma_start3A_33 = arith.constant 0 : i32
    %dma_start3A_34 = tpu.memref_slice %arg2[%add3A_25, %dma_start3A_33] : memref<4096x1024xf32, #tpu.memory_space<hbm>> -> memref<32x1024xf32, #tpu.memory_space<hbm>>
    tpu.enqueue_dma source(%dma_start3A_34 : memref<32x1024xf32, #tpu.memory_space<hbm>>) target(%dma_start3A_32 : memref<32x1024xf32, #tpu.memory_space<vmem_shared>>) target_semaphore(%dma_start3A_28 : memref<!tpu.dma_semaphore, #tpu.memory_space<semaphore_mem>>)
    %add3A_35 = arith.constant 0 : i32
    %add3A_36 = arith.addi %mul3A_2, %add3A_35 : i32
    %dma_wait3A = arith.constant 0 : i32
    %dma_wait3A_37 = tpu.memref_slice %arg10[%dma_wait3A] : memref<3x!tpu.dma_semaphore, #tpu.memory_space<semaphore_mem>> -> memref<1x!tpu.dma_semaphore, #tpu.memory_space<semaphore_mem>>
    %dma_wait3A_38 = tpu.memref_squeeze %dma_wait3A_37 : memref<1x!tpu.dma_semaphore, #tpu.memory_space<semaphore_mem>> -> memref<!tpu.dma_semaphore, #tpu.memory_space<semaphore_mem>>
    %dma_wait3A_39 = arith.constant 0 : i32
    %dma_wait3A_40 = arith.constant 0 : i32
    %dma_wait3A_41 = tpu.memref_slice %arg7[%arg1, %dma_wait3A_39, %dma_wait3A_40] : memref<16x32x1024xf32, #tpu.memory_space<vmem_shared>> -> memref<1x32x1024xf32, #tpu.memory_space<vmem_shared>>
    %dma_wait3A_42 = tpu.memref_squeeze %dma_wait3A_41 : memref<1x32x1024xf32, #tpu.memory_space<vmem_shared>> -> memref<32x1024xf32, #tpu.memory_space<vmem_shared>>
    %dma_wait3A_43 = arith.constant 0 : i32
    %dma_wait3A_44 = tpu.memref_slice %arg2[%add3A_36, %dma_wait3A_43] : memref<4096x1024xf32, #tpu.memory_space<hbm>> -> memref<32x1024xf32, #tpu.memory_space<hbm>>
    tpu.wait_dma2 semaphore(%dma_wait3A_38 : memref<!tpu.dma_semaphore, #tpu.memory_space<semaphore_mem>>) src(%dma_wait3A_44 : memref<32x1024xf32, #tpu.memory_space<hbm>>) dst(%dma_wait3A_42 : memref<32x1024xf32, #tpu.memory_space<vmem_shared>>)
    %add3A_45 = arith.constant 0 : i32
    %add3A_46 = arith.addi %mul3A_2, %add3A_45 : i32
    %dma_start3A_47 = arith.constant 0 : i32
    %dma_start3A_48 = tpu.memref_slice %arg11[%dma_start3A_47] : memref<3x!tpu.dma_semaphore, #tpu.memory_space<semaphore_mem>> -> memref<1x!tpu.dma_semaphore, #tpu.memory_space<semaphore_mem>>
    %dma_start3A_49 = tpu.memref_squeeze %dma_start3A_48 : memref<1x!tpu.dma_semaphore, #tpu.memory_space<semaphore_mem>> -> memref<!tpu.dma_semaphore, #tpu.memory_space<semaphore_mem>>
    %dma_start3A_50 = arith.constant 0 : i32
    %dma_start3A_51 = tpu.memref_slice %arg5[%add3A_46, %dma_start3A_50] : memref<16384x1024xf32, #tpu.memory_space<hbm>> -> memref<32x1024xf32, #tpu.memory_space<hbm>>
    %dma_start3A_52 = arith.constant 0 : i32
    %dma_start3A_53 = arith.constant 0 : i32
    %dma_start3A_54 = tpu.memref_slice %arg7[%arg1, %dma_start3A_52, %dma_start3A_53] : memref<16x32x1024xf32, #tpu.memory_space<vmem_shared>> -> memref<1x32x1024xf32, #tpu.memory_space<vmem_shared>>
    %dma_start3A_55 = tpu.memref_squeeze %dma_start3A_54 : memref<1x32x1024xf32, #tpu.memory_space<vmem_shared>> -> memref<32x1024xf32, #tpu.memory_space<vmem_shared>>
    tpu.enqueue_dma source(%dma_start3A_55 : memref<32x1024xf32, #tpu.memory_space<vmem_shared>>) target(%dma_start3A_51 : memref<32x1024xf32, #tpu.memory_space<hbm>>) target_semaphore(%dma_start3A_49 : memref<!tpu.dma_semaphore, #tpu.memory_space<semaphore_mem>>)
    %add3A_56 = arith.constant 0 : i32
    %add3A_57 = arith.addi %mul3A_2, %add3A_56 : i32
    %dma_wait3A_58 = arith.constant 0 : i32
    %dma_wait3A_59 = tpu.memref_slice %arg11[%dma_wait3A_58] : memref<3x!tpu.dma_semaphore, #tpu.memory_space<semaphore_mem>> -> memref<1x!tpu.dma_semaphore, #tpu.memory_space<semaphore_mem>>
    %dma_wait3A_60 = tpu.memref_squeeze %dma_wait3A_59 : memref<1x!tpu.dma_semaphore, #tpu.memory_space<semaphore_mem>> -> memref<!tpu.dma_semaphore, #tpu.memory_space<semaphore_mem>>
    %dma_wait3A_61 = arith.constant 0 : i32
    %dma_wait3A_62 = tpu.memref_slice %arg5[%add3A_57, %dma_wait3A_61] : memref<16384x1024xf32, #tpu.memory_space<hbm>> -> memref<32x1024xf32, #tpu.memory_space<hbm>>
    %dma_wait3A_63 = arith.constant 0 : i32
    %dma_wait3A_64 = arith.constant 0 : i32
    %dma_wait3A_65 = tpu.memref_slice %arg7[%arg1, %dma_wait3A_63, %dma_wait3A_64] : memref<16x32x1024xf32, #tpu.memory_space<vmem_shared>> -> memref<1x32x1024xf32, #tpu.memory_space<vmem_shared>>
    %dma_wait3A_66 = tpu.memref_squeeze %dma_wait3A_65 : memref<1x32x1024xf32, #tpu.memory_space<vmem_shared>> -> memref<32x1024xf32, #tpu.memory_space<vmem_shared>>
    tpu.wait_dma2 semaphore(%dma_wait3A_60 : memref<!tpu.dma_semaphore, #tpu.memory_space<semaphore_mem>>) src(%dma_wait3A_66 : memref<32x1024xf32, #tpu.memory_space<vmem_shared>>) dst(%dma_wait3A_62 : memref<32x1024xf32, #tpu.memory_space<hbm>>)
    %add3A_67 = arith.constant 96 : i32
    %add3A_68 = arith.addi %mul3A_2, %add3A_67 : i32
    %dma_start3A_69 = arith.constant 0 : i32
    %dma_start3A_70 = tpu.memref_slice %arg10[%dma_start3A_69] : memref<3x!tpu.dma_semaphore, #tpu.memory_space<semaphore_mem>> -> memref<1x!tpu.dma_semaphore, #tpu.memory_space<semaphore_mem>>
    %dma_start3A_71 = tpu.memref_squeeze %dma_start3A_70 : memref<1x!tpu.dma_semaphore, #tpu.memory_space<semaphore_mem>> -> memref<!tpu.dma_semaphore, #tpu.memory_space<semaphore_mem>>
    %dma_start3A_72 = arith.constant 0 : i32
    %dma_start3A_73 = arith.constant 0 : i32
    %dma_start3A_74 = tpu.memref_slice %arg7[%arg1, %dma_start3A_72, %dma_start3A_73] : memref<16x32x1024xf32, #tpu.memory_space<vmem_shared>> -> memref<1x32x1024xf32, #tpu.memory_space<vmem_shared>>
    %dma_start3A_75 = tpu.memref_squeeze %dma_start3A_74 : memref<1x32x1024xf32, #tpu.memory_space<vmem_shared>> -> memref<32x1024xf32, #tpu.memory_space<vmem_shared>>
    %dma_start3A_76 = arith.constant 0 : i32
    %dma_start3A_77 = tpu.memref_slice %arg2[%add3A_68, %dma_start3A_76] : memref<4096x1024xf32, #tpu.memory_space<hbm>> -> memref<32x1024xf32, #tpu.memory_space<hbm>>
    tpu.enqueue_dma source(%dma_start3A_77 : memref<32x1024xf32, #tpu.memory_space<hbm>>) target(%dma_start3A_75 : memref<32x1024xf32, #tpu.memory_space<vmem_shared>>) target_semaphore(%dma_start3A_71 : memref<!tpu.dma_semaphore, #tpu.memory_space<semaphore_mem>>)
    %add3A_78 = arith.constant 32 : i32
    %add3A_79 = arith.addi %mul3A_2, %add3A_78 : i32
    %dma_wait3A_80 = arith.constant 1 : i32
    %dma_wait3A_81 = tpu.memref_slice %arg10[%dma_wait3A_80] : memref<3x!tpu.dma_semaphore, #tpu.memory_space<semaphore_mem>> -> memref<1x!tpu.dma_semaphore, #tpu.memory_space<semaphore_mem>>
    %dma_wait3A_82 = tpu.memref_squeeze %dma_wait3A_81 : memref<1x!tpu.dma_semaphore, #tpu.memory_space<semaphore_mem>> -> memref<!tpu.dma_semaphore, #tpu.memory_space<semaphore_mem>>
    %dma_wait3A_83 = arith.constant 0 : i32
    %dma_wait3A_84 = arith.constant 0 : i32
    %dma_wait3A_85 = tpu.memref_slice %arg8[%arg1, %dma_wait3A_83, %dma_wait3A_84] : memref<16x32x1024xf32, #tpu.memory_space<vmem_shared>> -> memref<1x32x1024xf32, #tpu.memory_space<vmem_shared>>
    %dma_wait3A_86 = tpu.memref_squeeze %dma_wait3A_85 : memref<1x32x1024xf32, #tpu.memory_space<vmem_shared>> -> memref<32x1024xf32, #tpu.memory_space<vmem_shared>>
    %dma_wait3A_87 = arith.constant 0 : i32
    %dma_wait3A_88 = tpu.memref_slice %arg2[%add3A_79, %dma_wait3A_87] : memref<4096x1024xf32, #tpu.memory_space<hbm>> -> memref<32x1024xf32, #tpu.memory_space<hbm>>
    tpu.wait_dma2 semaphore(%dma_wait3A_82 : memref<!tpu.dma_semaphore, #tpu.memory_space<semaphore_mem>>) src(%dma_wait3A_88 : memref<32x1024xf32, #tpu.memory_space<hbm>>) dst(%dma_wait3A_86 : memref<32x1024xf32, #tpu.memory_space<vmem_shared>>)
    %add3A_89 = arith.constant 32 : i32
    %add3A_90 = arith.addi %mul3A_2, %add3A_89 : i32
    %dma_start3A_91 = arith.constant 1 : i32
    %dma_start3A_92 = tpu.memref_slice %arg11[%dma_start3A_91] : memref<3x!tpu.dma_semaphore, #tpu.memory_space<semaphore_mem>> -> memref<1x!tpu.dma_semaphore, #tpu.memory_space<semaphore_mem>>
    %dma_start3A_93 = tpu.memref_squeeze %dma_start3A_92 : memref<1x!tpu.dma_semaphore, #tpu.memory_space<semaphore_mem>> -> memref<!tpu.dma_semaphore, #tpu.memory_space<semaphore_mem>>
    %dma_start3A_94 = arith.constant 0 : i32
    %dma_start3A_95 = tpu.memref_slice %arg5[%add3A_90, %dma_start3A_94] : memref<16384x1024xf32, #tpu.memory_space<hbm>> -> memref<32x1024xf32, #tpu.memory_space<hbm>>
    %dma_start3A_96 = arith.constant 0 : i32
    %dma_start3A_97 = arith.constant 0 : i32
    %dma_start3A_98 = tpu.memref_slice %arg8[%arg1, %dma_start3A_96, %dma_start3A_97] : memref<16x32x1024xf32, #tpu.memory_space<vmem_shared>> -> memref<1x32x1024xf32, #tpu.memory_space<vmem_shared>>
    %dma_start3A_99 = tpu.memref_squeeze %dma_start3A_98 : memref<1x32x1024xf32, #tpu.memory_space<vmem_shared>> -> memref<32x1024xf32, #tpu.memory_space<vmem_shared>>
    tpu.enqueue_dma source(%dma_start3A_99 : memref<32x1024xf32, #tpu.memory_space<vmem_shared>>) target(%dma_start3A_95 : memref<32x1024xf32, #tpu.memory_space<hbm>>) target_semaphore(%dma_start3A_93 : memref<!tpu.dma_semaphore, #tpu.memory_space<semaphore_mem>>)
    %add3A_100 = arith.constant 64 : i32
    %add3A_101 = arith.addi %mul3A_2, %add3A_100 : i32
    %dma_wait3A_102 = arith.constant 2 : i32
    %dma_wait3A_103 = tpu.memref_slice %arg10[%dma_wait3A_102] : memref<3x!tpu.dma_semaphore, #tpu.memory_space<semaphore_mem>> -> memref<1x!tpu.dma_semaphore, #tpu.memory_space<semaphore_mem>>
    %dma_wait3A_104 = tpu.memref_squeeze %dma_wait3A_103 : memref<1x!tpu.dma_semaphore, #tpu.memory_space<semaphore_mem>> -> memref<!tpu.dma_semaphore, #tpu.memory_space<semaphore_mem>>
    %dma_wait3A_105 = arith.constant 0 : i32
    %dma_wait3A_106 = arith.constant 0 : i32
    %dma_wait3A_107 = tpu.memref_slice %arg9[%arg1, %dma_wait3A_105, %dma_wait3A_106] : memref<16x32x1024xf32, #tpu.memory_space<vmem_shared>> -> memref<1x32x1024xf32, #tpu.memory_space<vmem_shared>>
    %dma_wait3A_108 = tpu.memref_squeeze %dma_wait3A_107 : memref<1x32x1024xf32, #tpu.memory_space<vmem_shared>> -> memref<32x1024xf32, #tpu.memory_space<vmem_shared>>
    %dma_wait3A_109 = arith.constant 0 : i32
    %dma_wait3A_110 = tpu.memref_slice %arg2[%add3A_101, %dma_wait3A_109] : memref<4096x1024xf32, #tpu.memory_space<hbm>> -> memref<32x1024xf32, #tpu.memory_space<hbm>>
    tpu.wait_dma2 semaphore(%dma_wait3A_104 : memref<!tpu.dma_semaphore, #tpu.memory_space<semaphore_mem>>) src(%dma_wait3A_110 : memref<32x1024xf32, #tpu.memory_space<hbm>>) dst(%dma_wait3A_108 : memref<32x1024xf32, #tpu.memory_space<vmem_shared>>)
    %add3A_111 = arith.constant 64 : i32
    %add3A_112 = arith.addi %mul3A_2, %add3A_111 : i32
    %dma_start3A_113 = arith.constant 2 : i32
    %dma_start3A_114 = tpu.memref_slice %arg11[%dma_start3A_113] : memref<3x!tpu.dma_semaphore, #tpu.memory_space<semaphore_mem>> -> memref<1x!tpu.dma_semaphore, #tpu.memory_space<semaphore_mem>>
    %dma_start3A_115 = tpu.memref_squeeze %dma_start3A_114 : memref<1x!tpu.dma_semaphore, #tpu.memory_space<semaphore_mem>> -> memref<!tpu.dma_semaphore, #tpu.memory_space<semaphore_mem>>
    %dma_start3A_116 = arith.constant 0 : i32
    %dma_start3A_117 = tpu.memref_slice %arg5[%add3A_112, %dma_start3A_116] : memref<16384x1024xf32, #tpu.memory_space<hbm>> -> memref<32x1024xf32, #tpu.memory_space<hbm>>
    %dma_start3A_118 = arith.constant 0 : i32
    %dma_start3A_119 = arith.constant 0 : i32
    %dma_start3A_120 = tpu.memref_slice %arg9[%arg1, %dma_start3A_118, %dma_start3A_119] : memref<16x32x1024xf32, #tpu.memory_space<vmem_shared>> -> memref<1x32x1024xf32, #tpu.memory_space<vmem_shared>>
    %dma_start3A_121 = tpu.memref_squeeze %dma_start3A_120 : memref<1x32x1024xf32, #tpu.memory_space<vmem_shared>> -> memref<32x1024xf32, #tpu.memory_space<vmem_shared>>
    tpu.enqueue_dma source(%dma_start3A_121 : memref<32x1024xf32, #tpu.memory_space<vmem_shared>>) target(%dma_start3A_117 : memref<32x1024xf32, #tpu.memory_space<hbm>>) target_semaphore(%dma_start3A_115 : memref<!tpu.dma_semaphore, #tpu.memory_space<semaphore_mem>>)
    %add3A_122 = arith.constant 96 : i32
    %add3A_123 = arith.addi %mul3A_2, %add3A_122 : i32
    %dma_wait3A_124 = arith.constant 0 : i32
    %dma_wait3A_125 = tpu.memref_slice %arg10[%dma_wait3A_124] : memref<3x!tpu.dma_semaphore, #tpu.memory_space<semaphore_mem>> -> memref<1x!tpu.dma_semaphore, #tpu.memory_space<semaphore_mem>>
    %dma_wait3A_126 = tpu.memref_squeeze %dma_wait3A_125 : memref<1x!tpu.dma_semaphore, #tpu.memory_space<semaphore_mem>> -> memref<!tpu.dma_semaphore, #tpu.memory_space<semaphore_mem>>
    %dma_wait3A_127 = arith.constant 0 : i32
    %dma_wait3A_128 = arith.constant 0 : i32
    %dma_wait3A_129 = tpu.memref_slice %arg7[%arg1, %dma_wait3A_127, %dma_wait3A_128] : memref<16x32x1024xf32, #tpu.memory_space<vmem_shared>> -> memref<1x32x1024xf32, #tpu.memory_space<vmem_shared>>
    %dma_wait3A_130 = tpu.memref_squeeze %dma_wait3A_129 : memref<1x32x1024xf32, #tpu.memory_space<vmem_shared>> -> memref<32x1024xf32, #tpu.memory_space<vmem_shared>>
    %dma_wait3A_131 = arith.constant 0 : i32
    %dma_wait3A_132 = tpu.memref_slice %arg2[%add3A_123, %dma_wait3A_131] : memref<4096x1024xf32, #tpu.memory_space<hbm>> -> memref<32x1024xf32, #tpu.memory_space<hbm>>
    tpu.wait_dma2 semaphore(%dma_wait3A_126 : memref<!tpu.dma_semaphore, #tpu.memory_space<semaphore_mem>>) src(%dma_wait3A_132 : memref<32x1024xf32, #tpu.memory_space<hbm>>) dst(%dma_wait3A_130 : memref<32x1024xf32, #tpu.memory_space<vmem_shared>>)
    %add3A_133 = arith.constant 96 : i32
    %add3A_134 = arith.addi %mul3A_2, %add3A_133 : i32
    %dma_start3A_135 = arith.constant 0 : i32
    %dma_start3A_136 = tpu.memref_slice %arg11[%dma_start3A_135] : memref<3x!tpu.dma_semaphore, #tpu.memory_space<semaphore_mem>> -> memref<1x!tpu.dma_semaphore, #tpu.memory_space<semaphore_mem>>
    %dma_start3A_137 = tpu.memref_squeeze %dma_start3A_136 : memref<1x!tpu.dma_semaphore, #tpu.memory_space<semaphore_mem>> -> memref<!tpu.dma_semaphore, #tpu.memory_space<semaphore_mem>>
    %dma_start3A_138 = arith.constant 0 : i32
    %dma_start3A_139 = tpu.memref_slice %arg5[%add3A_134, %dma_start3A_138] : memref<16384x1024xf32, #tpu.memory_space<hbm>> -> memref<32x1024xf32, #tpu.memory_space<hbm>>
    %dma_start3A_140 = arith.constant 0 : i32
    %dma_start3A_141 = arith.constant 0 : i32
    %dma_start3A_142 = tpu.memref_slice %arg7[%arg1, %dma_start3A_140, %dma_start3A_141] : memref<16x32x1024xf32, #tpu.memory_space<vmem_shared>> -> memref<1x32x1024xf32, #tpu.memory_space<vmem_shared>>
    %dma_start3A_143 = tpu.memref_squeeze %dma_start3A_142 : memref<1x32x1024xf32, #tpu.memory_space<vmem_shared>> -> memref<32x1024xf32, #tpu.memory_space<vmem_shared>>
    tpu.enqueue_dma source(%dma_start3A_143 : memref<32x1024xf32, #tpu.memory_space<vmem_shared>>) target(%dma_start3A_139 : memref<32x1024xf32, #tpu.memory_space<hbm>>) target_semaphore(%dma_start3A_137 : memref<!tpu.dma_semaphore, #tpu.memory_space<semaphore_mem>>)
    %add3A_144 = arith.constant 32 : i32
    %add3A_145 = arith.addi %mul3A_2, %add3A_144 : i32
    %dma_wait3A_146 = arith.constant 1 : i32
    %dma_wait3A_147 = tpu.memref_slice %arg11[%dma_wait3A_146] : memref<3x!tpu.dma_semaphore, #tpu.memory_space<semaphore_mem>> -> memref<1x!tpu.dma_semaphore, #tpu.memory_space<semaphore_mem>>
    %dma_wait3A_148 = tpu.memref_squeeze %dma_wait3A_147 : memref<1x!tpu.dma_semaphore, #tpu.memory_space<semaphore_mem>> -> memref<!tpu.dma_semaphore, #tpu.memory_space<semaphore_mem>>
    %dma_wait3A_149 = arith.constant 0 : i32
    %dma_wait3A_150 = tpu.memref_slice %arg5[%add3A_145, %dma_wait3A_149] : memref<16384x1024xf32, #tpu.memory_space<hbm>> -> memref<32x1024xf32, #tpu.memory_space<hbm>>
    %dma_wait3A_151 = arith.constant 0 : i32
    %dma_wait3A_152 = arith.constant 0 : i32
    %dma_wait3A_153 = tpu.memref_slice %arg8[%arg1, %dma_wait3A_151, %dma_wait3A_152] : memref<16x32x1024xf32, #tpu.memory_space<vmem_shared>> -> memref<1x32x1024xf32, #tpu.memory_space<vmem_shared>>
    %dma_wait3A_154 = tpu.memref_squeeze %dma_wait3A_153 : memref<1x32x1024xf32, #tpu.memory_space<vmem_shared>> -> memref<32x1024xf32, #tpu.memory_space<vmem_shared>>
    tpu.wait_dma2 semaphore(%dma_wait3A_148 : memref<!tpu.dma_semaphore, #tpu.memory_space<semaphore_mem>>) src(%dma_wait3A_154 : memref<32x1024xf32, #tpu.memory_space<vmem_shared>>) dst(%dma_wait3A_150 : memref<32x1024xf32, #tpu.memory_space<hbm>>)
    %add3A_155 = arith.constant 64 : i32
    %add3A_156 = arith.addi %mul3A_2, %add3A_155 : i32
    %dma_wait3A_157 = arith.constant 2 : i32
    %dma_wait3A_158 = tpu.memref_slice %arg11[%dma_wait3A_157] : memref<3x!tpu.dma_semaphore, #tpu.memory_space<semaphore_mem>> -> memref<1x!tpu.dma_semaphore, #tpu.memory_space<semaphore_mem>>
    %dma_wait3A_159 = tpu.memref_squeeze %dma_wait3A_158 : memref<1x!tpu.dma_semaphore, #tpu.memory_space<semaphore_mem>> -> memref<!tpu.dma_semaphore, #tpu.memory_space<semaphore_mem>>
    %dma_wait3A_160 = arith.constant 0 : i32
    %dma_wait3A_161 = tpu.memref_slice %arg5[%add3A_156, %dma_wait3A_160] : memref<16384x1024xf32, #tpu.memory_space<hbm>> -> memref<32x1024xf32, #tpu.memory_space<hbm>>
    %dma_wait3A_162 = arith.constant 0 : i32
    %dma_wait3A_163 = arith.constant 0 : i32
    %dma_wait3A_164 = tpu.memref_slice %arg9[%arg1, %dma_wait3A_162, %dma_wait3A_163] : memref<16x32x1024xf32, #tpu.memory_space<vmem_shared>> -> memref<1x32x1024xf32, #tpu.memory_space<vmem_shared>>
    %dma_wait3A_165 = tpu.memref_squeeze %dma_wait3A_164 : memref<1x32x1024xf32, #tpu.memory_space<vmem_shared>> -> memref<32x1024xf32, #tpu.memory_space<vmem_shared>>
    tpu.wait_dma2 semaphore(%dma_wait3A_159 : memref<!tpu.dma_semaphore, #tpu.memory_space<semaphore_mem>>) src(%dma_wait3A_165 : memref<32x1024xf32, #tpu.memory_space<vmem_shared>>) dst(%dma_wait3A_161 : memref<32x1024xf32, #tpu.memory_space<hbm>>)
    %add3A_166 = arith.constant 96 : i32
    %add3A_167 = arith.addi %mul3A_2, %add3A_166 : i32
    %dma_wait3A_168 = arith.constant 0 : i32
    %dma_wait3A_169 = tpu.memref_slice %arg11[%dma_wait3A_168] : memref<3x!tpu.dma_semaphore, #tpu.memory_space<semaphore_mem>> -> memref<1x!tpu.dma_semaphore, #tpu.memory_space<semaphore_mem>>
    %dma_wait3A_170 = tpu.memref_squeeze %dma_wait3A_169 : memref<1x!tpu.dma_semaphore, #tpu.memory_space<semaphore_mem>> -> memref<!tpu.dma_semaphore, #tpu.memory_space<semaphore_mem>>
    %dma_wait3A_171 = arith.constant 0 : i32
    %dma_wait3A_172 = tpu.memref_slice %arg5[%add3A_167, %dma_wait3A_171] : memref<16384x1024xf32, #tpu.memory_space<hbm>> -> memref<32x1024xf32, #tpu.memory_space<hbm>>
    %dma_wait3A_173 = arith.constant 0 : i32
    %dma_wait3A_174 = arith.constant 0 : i32
    %dma_wait3A_175 = tpu.memref_slice %arg7[%arg1, %dma_wait3A_173, %dma_wait3A_174] : memref<16x32x1024xf32, #tpu.memory_space<vmem_shared>> -> memref<1x32x1024xf32, #tpu.memory_space<vmem_shared>>
    %dma_wait3A_176 = tpu.memref_squeeze %dma_wait3A_175 : memref<1x32x1024xf32, #tpu.memory_space<vmem_shared>> -> memref<32x1024xf32, #tpu.memory_space<vmem_shared>>
    tpu.wait_dma2 semaphore(%dma_wait3A_170 : memref<!tpu.dma_semaphore, #tpu.memory_space<semaphore_mem>>) src(%dma_wait3A_176 : memref<32x1024xf32, #tpu.memory_space<vmem_shared>>) dst(%dma_wait3A_172 : memref<32x1024xf32, #tpu.memory_space<hbm>>)
    %eq3A = arith.constant 0 : i32
    %eq3A_177 = arith.cmpi eq, %add3A, %eq3A : i32
    %convert_element_type3A = arith.extui %eq3A_177 : i1 to i32
    %cond3A = arith.constant 0 : i32
    %cond3A_178 = arith.cmpi ne, %convert_element_type3A, %cond3A : i32
    scf.if %cond3A_178 {
      %dma_start3A_184 = arith.constant 0 : i32
      %dma_start3A_185 = tpu.memref_slice %arg6[%dma_start3A_184] : memref<16384xi32, #tpu.memory_space<hbm>> -> memref<4096xi32, #tpu.memory_space<hbm>>
      tpu.enqueue_dma source(%arg3 : memref<4096xi32, #tpu.memory_space<hbm>>) target(%dma_start3A_185 : memref<4096xi32, #tpu.memory_space<hbm>>) target_semaphore(%arg12 : memref<!tpu.dma_semaphore, #tpu.memory_space<semaphore_mem>>)
      %dma_wait3A_186 = arith.constant 0 : i32
      %dma_wait3A_187 = tpu.memref_slice %arg6[%dma_wait3A_186] : memref<16384xi32, #tpu.memory_space<hbm>> -> memref<4096xi32, #tpu.memory_space<hbm>>
      tpu.wait_dma2 semaphore(%arg12 : memref<!tpu.dma_semaphore, #tpu.memory_space<semaphore_mem>>) src(%arg3 : memref<4096xi32, #tpu.memory_space<hbm>>) dst(%dma_wait3A_187 : memref<4096xi32, #tpu.memory_space<hbm>>)
    } else {
    }
    %eq3A_179 = arith.constant 1 : i32
    %eq3A_180 = arith.cmpi eq, %add3A, %eq3A_179 : i32
    %convert_element_type3A_181 = arith.extui %eq3A_180 : i1 to i32
    %cond3A_182 = arith.constant 0 : i32
    %cond3A_183 = arith.cmpi ne, %convert_element_type3A_181, %cond3A_182 : i32
    scf.if %cond3A_183 {
      %dma_start3A_184 = arith.constant 4096 : i32
      %dma_start3A_185 = tpu.memref_slice %arg6[%dma_start3A_184] : memref<16384xi32, #tpu.memory_space<hbm>> -> memref<12288xi32, #tpu.memory_space<hbm>>
      %dma_start3A_186 = arith.constant 4096 : i32
      %dma_start3A_187 = tpu.memref_slice %arg4[%dma_start3A_186] : memref<16384xi32, #tpu.memory_space<hbm>> -> memref<12288xi32, #tpu.memory_space<hbm>>
      tpu.enqueue_dma source(%dma_start3A_187 : memref<12288xi32, #tpu.memory_space<hbm>>) target(%dma_start3A_185 : memref<12288xi32, #tpu.memory_space<hbm>>) target_semaphore(%arg12 : memref<!tpu.dma_semaphore, #tpu.memory_space<semaphore_mem>>)
      %dma_wait3A_188 = arith.constant 4096 : i32
      %dma_wait3A_189 = tpu.memref_slice %arg6[%dma_wait3A_188] : memref<16384xi32, #tpu.memory_space<hbm>> -> memref<12288xi32, #tpu.memory_space<hbm>>
      %dma_wait3A_190 = arith.constant 4096 : i32
      %dma_wait3A_191 = tpu.memref_slice %arg4[%dma_wait3A_190] : memref<16384xi32, #tpu.memory_space<hbm>> -> memref<12288xi32, #tpu.memory_space<hbm>>
      tpu.wait_dma2 semaphore(%arg12 : memref<!tpu.dma_semaphore, #tpu.memory_space<semaphore_mem>>) src(%dma_wait3A_191 : memref<12288xi32, #tpu.memory_space<hbm>>) dst(%dma_wait3A_189 : memref<12288xi32, #tpu.memory_space<hbm>>)
    } else {
    }
    return
  }
}

module attributes {stable_mosaic.version = 14 : i64} {
  func.func @_tc_tail_copy(%arg0: i32, %arg1: memref<2048x1024xf32, #tpu.memory_space<vmem>>, %arg2: memref<16384x1024xf32, #tpu.memory_space<hbm>>, %arg3: memref<2048x1024xf32, #tpu.memory_space<vmem>>) attributes {dimension_semantics = [#tpu.dimension_semantics<arbitrary>], iteration_bounds = array<i64: 6>, scalar_prefetch = 0 : i64, scratch_operands = 0 : i64, tpu.core_type = #tpu.core_type<tc>, window_params = [{transform_indices = @transform_0, window_bounds = array<i64: 2048, 1024>}, {}, {transform_indices = @transform_2, window_bounds = array<i64: 2048, 1024>}]} {
    %get3A = arith.constant 0 : index
    %get3A_0 = arith.constant 0 : index
    %get3A_1 = vector.load %arg1[%get3A, %get3A_0] : memref<2048x1024xf32, #tpu.memory_space<vmem>>, vector<2048x1024xf32>
    %swap3A = arith.constant 0 : index
    %swap3A_2 = arith.constant 0 : index
    %swap3A_3 = vector.load %arg3[%swap3A, %swap3A_2] : memref<2048x1024xf32, #tpu.memory_space<vmem>>, vector<2048x1024xf32>
    tpu.vector_store %arg3[%swap3A, %swap3A_2], %get3A_1 {strides = array<i32>} : memref<2048x1024xf32, #tpu.memory_space<vmem>>, vector<2048x1024xf32>,
    return
  }
  func.func @transform_0(%arg0: i32) -> (i32, i32) {
    %add3A = arith.constant 2 : i32
    %add3A_0 = arith.addi %arg0, %add3A : i32
    %c0_i32 = arith.constant 0 : i32
    %c0_i32_1 = arith.constant 0 : i32
    return %add3A_0, %c0_i32 : i32, i32
  }
  func.func @transform_2(%arg0: i32) -> (i32, i32) {
    %add3A = arith.constant 2 : i32
    %add3A_0 = arith.addi %arg0, %add3A : i32
    %c0_i32 = arith.constant 0 : i32
    %c0_i32_1 = arith.constant 0 : i32
    return %add3A_0, %c0_i32 : i32, i32
  }
}

</mosaic_0001>

<sc_bundles>
// kernel: kernel.4.cloned.1.call-start
scs
__scs_entry_jumppad:
0x0: {  	(pc) =	sbr.rel $0x88, $3  }
0x1: {  	(tag) =	ssettag $0x0;
	lr =	simm.s32 $0x1  }
0x2: {  	[smem:$0x3F9D] =	sst lr;
	_ =	strace $0xD0000000  }
0x3: {  	_ = 	snop  }
0x4: {  	_ = 	snop  }
0x5: {  	_ = 	snop  }
0x6: {  	_ = 	snop  }
0x7: {  	_ = 	snop  }
__scs_overlays_trampoline_lowered:
0x8: {  	[smem:$0x3FAC] =	sst s0  }
0x9: {  	[smem:$0x3FAD] =	sst s1  }
0xa: {  	[smem:$0x3FAE] =	sst s2  }
0xb: {  	[smem:$0x3FAF] =	sst s3  }
0xc: {  	[smem:$0x3FB0] =	sst s4  }
0xd: {  	[smem:$0x3FB1] =	sst s5  }
0xe: {  	[smem:$0x3FB2] =	sst s6  }
0xf: {  	[smem:$0x3FB3] =	sst s7  }
0x10: {  	[smem:$0x3FB4] =	sst s8  }
0x11: {  	[smem:$0x3FB5] =	sst s9;
	s0 =	simm.s32 @!p0 $0x0  }
0x12: {  	s1 =	sld [smem:$0x3F9B];
	s0 =	simm.s32 @p0 $0x1  }
0x13: {  	[smem:$0x3FB6] =	sst s0;
	s0 =	simm.s32 @!p1 $0x0  }
0x14: {  	s2 =	sld [smem:$0x3F9A];
	s0 =	simm.s32 @p1 $0x1  }
0x15: {  	[smem:$0x3FB7] =	sst s0;
	s0 =	simm.s32 @!p2 $0x0  }
0x16: {  	s3 =	sld [smem:$0x3FDB];
	s0 =	simm.s32 @p2 $0x1  }
0x17: {  	s4 =	simm.s32 $0x1BF5;
	[smem:$0x3FB9] =	sst s0  }
0x18: {  	s0 =	sld [smem:$0x3F9C];
	_ =	swait.ge [sflag:s4], $0x0  }
0x19: {  	s7 =	sld [smem:$0x3F9D]  }
0x1a: {  	s8 =	sadd.s32 $0xFFFFE003, lr  }
0x1b: {  	s9 =	sadd.s32 $0xFFFFFEF7, lr;
	s5 =	simm.s32 $0xFFFFFFFF;
	p2 =	slt.u32 s8, $0xFFFFF086  }
0x1c: {  	p1 =	slt.u32 s9, $0xF7A;
	s5 =	simm.s32 @!p2 $0x0  }
0x1d: {  	s5 =	simm.s32 @p1 $0x1;
	p0 =	seq.s32 s7, s2  }
0x1e: {  	s7 =	smul.u32 @!p0 $0xF7A, s2;
	p2 =	seq.s32 @!p0 s5, $0x0  }
0x1f: {  	s9 =	smul.u32 $0xF7A, s1;
	s8 =	simm.s32 @!p0 $0x1BF5;
	p2 =	por !p2, p0  }
0x20: {  	[sflag:s8] =	ssyncset.s32 @!p0 $0xFFFFF086;
	s6 =	sadd.s32 @!p0 s3, s7;
	s7 =	simm.s32 @!p0 $0x108  }
0x21: {  	s3 =	sadd.s32 s3, s9;
	s6 =	sadd.s32 @!p0 $0x88, s6;
	s7 =	simm.s32 @p2 $0x1082  }
0x22: {  	[simem:s7], [sflag:s8] =	dma.local @!p0 [hbm:s6], $0xF7A  }
0x23: {  	s9 =	sor.u32 $0xD0000000, s2;
	s6 =	simm.s32 $0x108;
	_ =	swait.ge @!p0 [sflag:s8], $0x0  }
0x24: {  	s3 =	sadd.s32 $0x88, s3;
	s6 =	simm.s32 @!p1 $0x1082;
	[sflag:s4] =	ssyncset.s32 $0xFFFFF086  }
0x25: {  	[simem:s6], [sflag:s4] =	dma.local [hbm:s3], $0xF7A  }
0x26: {  	[smem:$0x3F9D] =	sst s1;
	(tag) =	ssettag s2;
	_ =	strace s9  }
0x27: {  	s1 =	sld [smem:$0x3FAD]  }
0x28: {  	s2 =	sld [smem:$0x3FAE]  }
0x29: {  	s4 =	sld [smem:$0x3FB0]  }
0x2a: {  	p0 =	seq.s32 s5, $0x0;
	s5 =	sld [smem:$0x3FB1]  }
0x2b: {  	s6 =	sld [smem:$0x3FB2]  }
0x2c: {  	s7 =	sld [smem:$0x3FB3]  }
0x2d: {  	s3 =	simm.s32 $0x108;
	s8 =	sld [smem:$0x3FB4]  }
0x2e: {  	s3 =	simm.s32 @!p0 $0x1082;
	s9 =	sld [smem:$0x3FB5]  }
0x2f: {  	lr =	sadd.s32 s0, s3;
	s0 =	sld [smem:$0x3FAC]  }
0x30: {  	s3 =	sld [smem:$0x3FAF]  }
0x31: {  	[smem:$0x3FB8] =	sst s10  }
0x32: {  	s10 =	sld [smem:$0x3FB6];
	_ =	sdelay $0x3  }
0x33: {  	p0 =	seq.s32 s10, $0x1;
	s10 =	sld [smem:$0x3FB8];
	_ =	sdelay $0x3  }
0x34: {  	[smem:$0x3FB8] =	sst s10  }
0x35: {  	s10 =	sld [smem:$0x3FB7];
	_ =	sdelay $0x3  }
0x36: {  	p1 =	seq.s32 s10, $0x1;
	s10 =	sld [smem:$0x3FB8];
	_ =	sdelay $0x3  }
0x37: {  	[smem:$0x3FB8] =	sst s10  }
0x38: {  	s10 =	sld [smem:$0x3FB9]  }
0x39: {  	_ = 	snop;
	(pc) =	sbr.ind lr, $3  }
0x3a: {  	_ = 	snop  }
0x3b: {  	_ = 	snop  }
0x3c: {  	p2 =	seq.s32 s10, $0x1;
	s10 =	sld [smem:$0x3FB8]  }
0x3d: {  	_ =	shalt  }
0x3e: {  	_ =	shalt  }
0x3f: {  	_ =	shalt  }
0x40: {  	_ =	shalt  }
0x41: {  	_ =	shalt  }
0x42: {  	_ =	shalt  }
0x43: {  	_ =	shalt  }
0x44: {  	_ =	shalt  }
0x45: {  	_ =	shalt  }
0x46: {  	_ =	shalt  }
0x47: {  	_ =	shalt  }
0x48: {  	_ =	shalt  }
0x49: {  	_ =	shalt  }
0x4a: {  	_ =	shalt  }
0x4b: {  	_ =	shalt  }
0x4c: {  	_ =	shalt  }
0x4d: {  	_ =	shalt  }
0x4e: {  	_ =	shalt  }
0x4f: {  	_ =	shalt  }
0x50: {  	_ =	shalt  }
0x51: {  	_ =	shalt  }
0x52: {  	_ =	shalt  }
0x53: {  	_ =	shalt  }
0x54: {  	_ =	shalt  }
0x55: {  	_ =	shalt  }
0x56: {  	_ =	shalt  }
0x57: {  	_ =	shalt  }
0x58: {  	_ =	shalt  }
0x59: {  	_ =	shalt  }
0x5a: {  	_ =	shalt  }
0x5b: {  	_ =	shalt  }
0x5c: {  	_ =	shalt  }
0x5d: {  	_ =	shalt  }
0x5e: {  	_ =	shalt  }
0x5f: {  	_ =	shalt  }
0x60: {  	_ =	shalt  }
0x61: {  	_ =	shalt  }
0x62: {  	_ =	shalt  }
0x63: {  	_ =	shalt  }
0x64: {  	_ =	shalt  }
0x65: {  	_ =	shalt  }
0x66: {  	_ =	shalt  }
0x67: {  	_ =	shalt  }
0x68: {  	_ =	shalt  }
0x69: {  	_ =	shalt  }
0x6a: {  	_ =	shalt  }
0x6b: {  	_ =	shalt  }
0x6c: {  	_ =	shalt  }
0x6d: {  	_ =	shalt  }
0x6e: {  	_ =	shalt  }
0x6f: {  	_ =	shalt  }
0x70: {  	_ =	shalt  }
0x71: {  	_ =	shalt  }
0x72: {  	_ =	shalt  }
0x73: {  	_ =	shalt  }
0x74: {  	_ =	shalt  }
0x75: {  	_ =	shalt  }
0x76: {  	_ =	shalt  }
0x77: {  	_ =	shalt  }
0x78: {  	_ =	shalt  }
0x79: {  	_ =	shalt  }
0x7a: {  	_ =	shalt  }
0x7b: {  	_ =	shalt  }
0x7c: {  	_ =	shalt  }
0x7d: {  	_ =	shalt  }
0x7e: {  	_ =	shalt  }
0x7f: {  	_ =	shalt  }
0x80: {  	_ =	shalt  }
0x81: {  	_ =	shalt  }
0x82: {  	_ =	shalt  }
0x83: {  	_ =	shalt  }
0x84: {  	_ =	shalt  }
0x85: {  	_ =	shalt  }
0x86: {  	_ =	shalt  }
0x87: {  	_ =	shalt  }
.Lfunc_end0:
.L_simem_size_0:
called_computation_lowered:
.L_overlay_start_0:
0x88: {  	s2 =	sld [smem:$0x3FD9]  }
0x89: {  	s3 =	sld [smem:$0x3FFE];
	_ =	sdelay $0x1  }
0x8a: {  	s1 =	srdreg.scid  }
0x8b: {  	s0 =	sand.u32 $0x1, s1  }
0x8c: {  	s14 =	sshll.u32 s0, $0xA;
	s2 =	sadd.s32 s3, s2  }
0x8d: {  	s2 =	sadd.s32 s2, s14  }
0x8e: {  	[smem:$0x3FC4] =	sst s2  }
0x8f: {  	_ = 	snop  }
0x90: {  	s2 =	sld [smem:$0x3FD0];
	_ =	sdelay $0x1  }
0x91: {  	s15 =	sld [smem:$0x3FC8]  }
0x92: {  	s5 =	simm.s32 $0xA;
	s6 =	simm.s32 $0x10;
	s4 =	sld [smem:$0x3FC6]  }
0x93: {  	[smem:s6], [sflag:s5] =	dma.local [hbm:s2], $0x1  }
0x94: {  	_ =	swait.eq [sflag:s5], $0x1  }
0x95: {  	[sflag:s5] =	ssyncset.done $0x0  }
0x96: {  	[sflag:s5] =	ssyncadd.s32 $0xFFFFFFFF  }
0x97: {  	s16 =	sld [smem:$0x11];
	(tm) =	ssettm $0x1  }
0x98: {  	s17 =	sld [smem:$0x3FFB];
	_ =	sdelay $0x3  }
0x99: {  	_ =	strace s17  }
0x9a: {  	s5 =	sld [smem:$0x3FFC];
	_ =	sdelay $0x3  }
0x9b: {  	_ =	strace s5  }
0x9c: {  	s5 =	sld [smem:$0x3FFD];
	_ =	sdelay $0x3  }
0x9d: {  	_ =	strace s5  }
0x9e: {  	_ =	strace $0x8FFFFFFF  }
0x9f: {  	s18 =	sld [smem:$0x3FDB];
	_ =	sdelay $0x1  }
0xa0: {  	s19 =	simm.s32 $_scs_section_size  }
0xa1: {  	s7 =	simm.s32 $_size__tile_overlayer_lowered;
	s8 =	simm.s32 $_tile_overlayer_lowered  }
0xa2: {  	s22 =	simm.s32 $0x1BFF;
	s21 =	sshll.u32 s8, $0x1;
	s5 =	sadd.s32 s19, s18  }
0xa3: {  	s9 =	simm.s32 $0x0;
	s20 =	sshll.u32 s7, $0x1;
	s7 =	sadd.s32 s21, s5  }
0xa4: {  	[timem:s9], [sflag:s22] =	dma.local [hbm:s7], s20  }
0xa5: {  	_ =	swait.ge [sflag:s22], s20  }
0xa6: {  	s6 =	ssub.s32 $0x0, s20;
	[sflag:s22] =	ssyncset.done $0x0  }
0xa7: {  	[sflag:s22] =	ssyncadd.s32 s6;
	_ =	sdelay $0x1  }
0xa8: {  	s23 =	simm.s32 $0x1B8B  }
0xa9: {  	_ =	swait.ge [sflag:s23], $0x1  }
0xaa: {  	[sflag:s23] =	ssyncset.done $0x0  }
0xab: {  	s25 =	simm.s32 $0x1B8E;
	s24 =	sld [smem:$0x3FFE];
	[sflag:s23] =	ssyncadd.s32 $0xFFFFFFFF  }
0xac: {  	s26 =	simm.s32 $execute0_lowered;
	[smem:$0x3FD2] =	sst s25  }
0xad: {  	s7 =	sshll.u32 s26, $0x1;
	_ =	strace $0x80000046;
	[dreg:$0x1] =	wrdreg $0xFFFFFFFF  }
0xae: {  	s28 =	simm.s32 $_size_execute0_lowered;
	s5 =	sadd.s32 s5, s7;
	[dreg:$0x0] =	wrdreg $0x0  }
0xaf: {  	s7 =	sshll.u32 s28, $0x1;
	[dreg:$0x2] =	wrdreg s5  }
0xb0: {  	[dreg:$0x3] =	wrdreg s7  }
0xb1: {  	[dreg:$0x4] =	wrdreg $0xC0  }
0xb2: {  	_ =	task [dreg:s9], $0x5FFFF  }
0xb3: {  	[dreg:$0x1] =	wrdreg $0xFFFFFFFF  }
0xb4: {  	[dreg:$0x0] =	wrdreg $0x60  }
0xb5: {  	[dreg:$0x2] =	wrdreg s24  }
0xb6: {  	[dreg:$0x3] =	wrdreg s15  }
0xb7: {  	[dreg:$0x4] =	wrdreg s4  }
0xb8: {  	[dreg:$0x5] =	wrdreg s16  }
0xb9: {  	[dreg:$0x6] =	wrdreg $0x0  }
0xba: {  	[dreg:$0x7] =	wrdreg $0x80000  }
0xbb: {  	[dreg:$0x8] =	wrdreg $0x100000  }
0xbc: {  	[dreg:$0x9] =	wrdreg $0x9  }
0xbd: {  	_ =	task.clear_ibuf [dreg:s9], $0xAFFFF;
	_ =	strace $0x90000046  }
0xbe: {  	s29 =	simm.s32 $0x9;
	_ =	strace $0x80000048  }
0xbf: {  	_ =	swait.ge [sflag:s29], $0x1  }
0xc0: {  	[sflag:s29] =	ssyncadd.s32 $0xFFFFFFFF  }
0xc1: {  	_ =	strace $0x90000048  }
0xc2: {  	_ =	sfence  }
0xc3: {  	s30 =	sld [smem:$0x0];
	_ =	sdelay $0x2  }
0xc4: {  	s31 =	sshll.u32 s1, $0xD;
	s1 =	sshrl.u32 s1, $0x2  }
0xc5: {  	s3 =	sand.u32 $0x4000, s31;
	s1 =	sadd.s32 s1, s30  }
0xc6: {  	s0 =	sor.u32 s3, s0;
	s1 =	sshll.u32 s1, $0x11  }
0xc7: {  	s0 =	sor.u32 s1, s0  }
0xc8: {  	s0 =	sadd.s32 $0x8F2B, s0  }
0xc9: {  	[sflag:s0] =	ssyncadd.remote.s32 $0x1  }
0xca: {  	_ =	sfence.sel $0xFFFF  }
0xcb: {  	[dreg:$0x0] =	wrdreg $0xFFFFFFFF;
	(pc) =	sbr.abs _section_cstart, $3  }
0xcc: {  	[dreg:$0x1] =	wrdreg $0xFFFFFFFF  }
0xcd: {  	_ =	task.clear_ibuf [dreg:s9], $0x2FFFF;
	_ =	strace $0x9FFFFFFF  }
0xce: {  	(tm) =	ssettm $0x7FFFFFFF  }
0xcf: {  	_ =	shalt  }
tec
execute0_lowered:
.L_overlay_start_1:
0x0: {  	(tag) =	ssettag $0x1  }
0x1: {  	s0 =	rddreg [dreg:$0x0]  }
0x2: {  	s1 =	rddreg [dreg:$0x1]  }
0x3: {  	s2 =	rddreg [dreg:$0x2]  }
0x4: {  	s3 =	rddreg [dreg:$0x4]  }
0x5: {  	s4 =	rddreg [dreg:$0x5]  }
0x6: {  	s6 =	rddreg [dreg:$0x6]  }
0x7: {  	s24 =	rddreg [dreg:$0x7]  }
0x8: {  	s5 =	simm.s32 $0x0;
	s20 =	srdreg.scid;
	[dreg:$0x8] =	wrdreg s1  }
0x9: {  	s25 =	stileid.u32;
	p2 =	por $0x0, $0x0;
	s1 =	rddreg [dreg:$0x3]  }
0xa: {  	[smem:$0x7FF] =	sst s5;
	s7 =	sadd.s32 $0x800, s0;
	s5 =	sand.u32 $0x1, s20  }
0xb: {  	s8 =	sshll.u32 s25, $0x1;
	s0 =	sadd.s32 $0x80800, s0;
	s10 =	sshll.u32 s25, $0xF  }
0xc: {  	_ =	strace $0x80000047;
	s9 =	ssub.s32 $0x2, s5;
	s11 =	sor.u32 s5, s8  }
0xd: {  	s14 =	sadd.s32 s10, s3;
	s5 =	sshll.u32 s25, $0x6;
	s17 =	sadd.s32 s10, s4  }
0xe: {  	s18 =	sadd.s32 s10, s6;
	s3 =	sadd.s32 $0x200, s1;
	s4 =	sadd.s32 $0x200, s2  }
0xf: {  	s21 =	sshrl.u32 s9, $0x1;
	s12 =	sshll.u32 s11, $0xE;
	s8 =	sor.u32 $0x1C01, s5  }
0x10: {  	s10 =	sshrl.u32 s14, $0x3;
	s20 =	sshrl.u32 s17, $0x3;
	s17 =	sshrl.u32 s18, $0x3  }
0x11: {  	s14 =	simm.s32 $0x1;
	p1 =	seq.s32 s11, $0x1;
	s13 =	ssub.s32 s9, s21  }
0x12: {  	s22 =	sadd.s32 s7, s12;
	s23 =	sor.u32 $0x1000, s12;
	s15 =	sor.u32 $0x2000, s12  }
0x13: {  	s29 =	sor.u32 $0x3000, s12;
	s19 =	sadd.s32 s0, s12;
	s21 =	simm.s32 $0x3  }
0x14: {  	p0 =	sne.s32 @!p1 s11, $0x0;
	s12 =	sadd.s32 s0, s23;
	s30 =	smax.u32 s13, $0x1  }
0x15: {  	s9 =	sadd.s32 s0, s15;
	s6 =	sadd.s32 s0, s29;
	s0 =	sadd.s32 $0xFFFFFFFF, s30  }
0x16: {  	s18 =	sshll.u32 @p1 s25, $0x6;
	[dreg:$0x9] =	wrdreg s22;
	p3 =	sne.s32 s0, $0x0  }
.Ltmp0:
0x17: {  	s26 =	sadd.s32 s7, s23;
	s28 =	sadd.s32 s7, s15;
	(pc) =	sbr.rel @!p3 .LBB2_1-.Ltmp0, $4  }
0x18: {  	s16 =	sadd.s32 s7, s29;
	s23 =	sor.u32 $0x1C02, s5;
	[dreg:$0xa] =	wrdreg s26  }
0x19: {  	s7 =	simm.s32 $0x4;
	p0 =	por p0, p1;
	[dreg:$0xb] =	wrdreg s28  }
0x1a: {  	s22 =	simm.s32 $0x2;
	s11 =	rddreg [dreg:$0x9];
	s31 =	sshll.u32 @!p0 s25, $0x6  }
0x1b: {  	s15 =	simm.s32 $0x5;
	s13 =	simm.s32 $0x6;
	[dreg:$0xc] =	wrdreg s31  }
0x1c: {  	[spmem:s10], [sflag:s8] =	dma.local [hbm:s11], $0x1000  }
0x1d: {  	s2 =	rddreg [dreg:$0xa]  }
0x1e: {  	[spmem:s20], [sflag:s23] =	dma.local [hbm:s2], $0x1000  }
0x1f: {  	s24 =	sor.u32 $0x1C03, s5;
	s2 =	rddreg [dreg:$0xb]  }
0x20: {  	[spmem:s17], [sflag:s24] =	dma.local [hbm:s2], $0x1000  }
0x21: {  	_ =	swait.ge [sflag:s14], $0x1000  }
0x22: {  	[sflag:s14] =	ssyncset.done $0x0  }
0x23: {  	s25 =	sor.u32 $0x1C04, s5;
	[sflag:s14] =	ssyncadd.s32 $0xFFFFF000  }
0x24: {  	[hbm:s19], [sflag:s25] =	dma.local [spmem:s10], $0x1000  }
0x25: {  	_ =	swait.ge [sflag:s7], $0x1000  }
0x26: {  	[sflag:s7] =	ssyncset.done $0x0  }
0x27: {  	[sflag:s7] =	ssyncadd.s32 $0xFFFFF000  }
0x28: {  	[spmem:s10], [sflag:s8] =	dma.local [hbm:s16], $0x1000  }
0x29: {  	_ =	swait.ge [sflag:s22], $0x1000  }
0x2a: {  	[sflag:s22] =	ssyncset.done $0x0  }
0x2b: {  	s26 =	sor.u32 $0x1C05, s5;
	[sflag:s22] =	ssyncadd.s32 $0xFFFFF000  }
0x2c: {  	[hbm:s12], [sflag:s26] =	dma.local [spmem:s20], $0x1000  }
0x2d: {  	_ =	swait.ge [sflag:s21], $0x1000  }
0x2e: {  	[sflag:s21] =	ssyncset.done $0x0  }
0x2f: {  	s28 =	sor.u32 $0x1C06, s5;
	[sflag:s21] =	ssyncadd.s32 $0xFFFFF000  }
0x30: {  	[hbm:s9], [sflag:s28] =	dma.local [spmem:s17], $0x1000  }
0x31: {  	_ =	swait.ge [sflag:s14], $0x1000  }
0x32: {  	[sflag:s14] =	ssyncset.done $0x0  }
0x33: {  	[sflag:s14] =	ssyncadd.s32 $0xFFFFF000  }
0x34: {  	[hbm:s6], [sflag:s25] =	dma.local [spmem:s10], $0x1000  }
0x35: {  	_ =	swait.ge [sflag:s15], $0x1000  }
0x36: {  	[sflag:s15] =	ssyncset.done $0x0  }
0x37: {  	[sflag:s15] =	ssyncadd.s32 $0xFFFFF000  }
0x38: {  	_ =	swait.ge [sflag:s13], $0x1000  }
0x39: {  	[sflag:s13] =	ssyncset.done $0x0  }
0x3a: {  	[sflag:s13] =	ssyncadd.s32 $0xFFFFF000  }
0x3b: {  	_ =	swait.ge [sflag:s7], $0x1000  }
0x3c: {  	s29 =	sor.u32 @p1 $0x1C07, s18;
	[sflag:s7] =	ssyncset.done $0x0  }
0x3d: {  	s30 =	simm.s32 @p1 $0x7;
	s0 =	sadd.s32 $0xFFFFFFFF, s0;
	[sflag:s7] =	ssyncadd.s32 $0xFFFFF000  }
0x3e: {  	[hbm:s3], [sflag:s29] =	dma.local @p1 [hbm:s4], $0x600  }
0x3f: {  	p3 =	sne.s32 s0, $0x0;
	_ =	swait.ge @p1 [sflag:s30], $0x600  }
.Ltmp1:
0x40: {  	s2 =	sor.u32 @!p0 $0x1C07, s31;
	[sflag:s30] =	ssyncset.done @p1 $0x0;
	(pc) =	sbr.rel @!p3 .LBB2_3-.Ltmp1, $4  }
0x41: {  	s31 =	simm.s32 @!p0 $0x7;
	s11 =	rddreg [dreg:$0x8];
	[sflag:s30] =	ssyncadd.s32 @p1 $0xFFFFFA00  }
0x42: {  	[hbm:s1], [sflag:s2] =	dma.local @!p0 [hbm:s11], $0x200  }
0x43: {  	_ =	swait.ge @!p0 [sflag:s31], $0x200  }
0x44: {  	p2 =	por $0x1, $0x1;
	s11 =	rddreg [dreg:$0x9];
	[sflag:s31] =	ssyncset.done @!p0 $0x0  }
.LBB2_4:
0x45: {  	[sflag:s31] =	ssyncadd.s32 @!p0 $0xFFFFFE00  }
0x46: {  	[spmem:s10], [sflag:s8] =	dma.local [hbm:s11], $0x1000  }
0x47: {  	s11 =	rddreg [dreg:$0xa]  }
0x48: {  	[spmem:s20], [sflag:s23] =	dma.local [hbm:s11], $0x1000  }
0x49: {  	s11 =	rddreg [dreg:$0xb]  }
0x4a: {  	[spmem:s17], [sflag:s24] =	dma.local [hbm:s11], $0x1000  }
0x4b: {  	_ =	swait.ge [sflag:s14], $0x1000  }
0x4c: {  	[sflag:s14] =	ssyncset.done $0x0  }
0x4d: {  	[sflag:s14] =	ssyncadd.s32 $0xFFFFF000  }
0x4e: {  	[hbm:s19], [sflag:s25] =	dma.local [spmem:s10], $0x1000  }
0x4f: {  	_ =	swait.ge [sflag:s7], $0x1000  }
0x50: {  	[sflag:s7] =	ssyncset.done $0x0  }
0x51: {  	[sflag:s7] =	ssyncadd.s32 $0xFFFFF000  }
0x52: {  	[spmem:s10], [sflag:s8] =	dma.local [hbm:s16], $0x1000  }
0x53: {  	_ =	swait.ge [sflag:s22], $0x1000  }
0x54: {  	[sflag:s22] =	ssyncset.done $0x0  }
0x55: {  	[sflag:s22] =	ssyncadd.s32 $0xFFFFF000  }
0x56: {  	[hbm:s12], [sflag:s26] =	dma.local [spmem:s20], $0x1000  }
0x57: {  	_ =	swait.ge [sflag:s21], $0x1000  }
0x58: {  	[sflag:s21] =	ssyncset.done $0x0  }
0x59: {  	[sflag:s21] =	ssyncadd.s32 $0xFFFFF000  }
0x5a: {  	[hbm:s9], [sflag:s28] =	dma.local [spmem:s17], $0x1000  }
0x5b: {  	_ =	swait.ge [sflag:s14], $0x1000  }
0x5c: {  	[sflag:s14] =	ssyncset.done $0x0  }
0x5d: {  	[sflag:s14] =	ssyncadd.s32 $0xFFFFF000  }
0x5e: {  	[hbm:s6], [sflag:s25] =	dma.local [spmem:s10], $0x1000  }
0x5f: {  	_ =	swait.ge [sflag:s15], $0x1000  }
0x60: {  	[sflag:s15] =	ssyncset.done $0x0  }
0x61: {  	[sflag:s15] =	ssyncadd.s32 $0xFFFFF000  }
0x62: {  	_ =	swait.ge [sflag:s13], $0x1000  }
0x63: {  	[sflag:s13] =	ssyncset.done $0x0  }
0x64: {  	[sflag:s13] =	ssyncadd.s32 $0xFFFFF000  }
0x65: {  	_ =	swait.ge [sflag:s7], $0x1000  }
0x66: {  	[sflag:s7] =	ssyncset.done $0x0  }
0x67: {  	s0 =	sadd.s32 $0xFFFFFFFF, s0;
	[sflag:s7] =	ssyncadd.s32 $0xFFFFF000  }
0x68: {  	[hbm:s3], [sflag:s29] =	dma.local @p1 [hbm:s4], $0x600  }
0x69: {  	p3 =	sne.s32 s0, $0x0;
	_ =	swait.ge @p1 [sflag:s30], $0x600  }
.Ltmp2:
0x6a: {  	[sflag:s30] =	ssyncset.done @p1 $0x0;
	(pc) =	sbr.rel @p3 .LBB2_4-.Ltmp2, $4  }
0x6b: {  	s11 =	rddreg [dreg:$0x8];
	[sflag:s30] =	ssyncadd.s32 @p1 $0xFFFFFA00  }
0x6c: {  	[hbm:s1], [sflag:s2] =	dma.local @!p0 [hbm:s11], $0x200  }
0x6d: {  	_ =	swait.ge @!p0 [sflag:s31], $0x200  }
0x6e: {  	s11 =	rddreg [dreg:$0x9];
	[sflag:s31] =	ssyncset.done @!p0 $0x0  }
0x6f: {  	s24 =	rddreg [dreg:$0x7];
	s25 =	stileid.u32  }
.LBB2_6:
0x70: {  	p2 =	por p0, !p2  }
0x71: {  	[sflag:s31] =	ssyncadd.s32 @!p2 $0xFFFFFE00  }
0x72: {  	[spmem:s10], [sflag:s8] =	dma.local [hbm:s11], $0x1000  }
0x73: {  	s0 =	rddreg [dreg:$0xa]  }
0x74: {  	[spmem:s20], [sflag:s23] =	dma.local [hbm:s0], $0x1000  }
0x75: {  	s2 =	sor.u32 $0x1C03, s5;
	s0 =	rddreg [dreg:$0xb]  }
0x76: {  	[spmem:s17], [sflag:s2] =	dma.local [hbm:s0], $0x1000  }
0x77: {  	_ =	swait.ge [sflag:s14], $0x1000  }
0x78: {  	[sflag:s14] =	ssyncset.done $0x0  }
0x79: {  	s29 =	sor.u32 $0x1C04, s5;
	[sflag:s14] =	ssyncadd.s32 $0xFFFFF000  }
0x7a: {  	[hbm:s19], [sflag:s29] =	dma.local [spmem:s10], $0x1000  }
0x7b: {  	_ =	swait.ge [sflag:s7], $0x1000  }
0x7c: {  	[sflag:s7] =	ssyncset.done $0x0  }
0x7d: {  	[sflag:s7] =	ssyncadd.s32 $0xFFFFF000  }
0x7e: {  	[spmem:s10], [sflag:s8] =	dma.local [hbm:s16], $0x1000  }
0x7f: {  	_ =	swait.ge [sflag:s22], $0x1000  }
0x80: {  	[sflag:s22] =	ssyncset.done $0x0  }
0x81: {  	s30 =	sor.u32 $0x1C05, s5;
	[sflag:s22] =	ssyncadd.s32 $0xFFFFF000  }
0x82: {  	[hbm:s12], [sflag:s30] =	dma.local [spmem:s20], $0x1000  }
0x83: {  	_ =	swait.ge [sflag:s21], $0x1000  }
0x84: {  	[sflag:s21] =	ssyncset.done $0x0  }
0x85: {  	s31 =	sor.u32 $0x1C06, s5;
	[sflag:s21] =	ssyncadd.s32 $0xFFFFF000  }
0x86: {  	[hbm:s9], [sflag:s31] =	dma.local [spmem:s17], $0x1000  }
0x87: {  	_ =	swait.ge [sflag:s14], $0x1000  }
0x88: {  	[sflag:s14] =	ssyncset.done $0x0  }
0x89: {  	[sflag:s14] =	ssyncadd.s32 $0xFFFFF000  }
0x8a: {  	[hbm:s6], [sflag:s29] =	dma.local [spmem:s10], $0x1000  }
0x8b: {  	_ =	swait.ge [sflag:s15], $0x1000  }
0x8c: {  	[sflag:s15] =	ssyncset.done $0x0  }
0x8d: {  	[sflag:s15] =	ssyncadd.s32 $0xFFFFF000  }
0x8e: {  	_ =	swait.ge [sflag:s13], $0x1000  }
0x8f: {  	[sflag:s13] =	ssyncset.done $0x0  }
0x90: {  	[sflag:s13] =	ssyncadd.s32 $0xFFFFF000  }
0x91: {  	_ =	swait.ge [sflag:s7], $0x1000  }
0x92: {  	[sflag:s7] =	ssyncset.done $0x0  }
0x93: {  	s0 =	sor.u32 @p1 $0x1C07, s18;
	s2 =	simm.s32 @p1 $0x7;
	[sflag:s7] =	ssyncadd.s32 $0xFFFFF000  }
0x94: {  	[hbm:s3], [sflag:s0] =	dma.local @p1 [hbm:s4], $0x600  }
0x95: {  	_ =	swait.ge @p1 [sflag:s2], $0x600  }
0x96: {  	[sflag:s2] =	ssyncset.done @p1 $0x0  }
0x97: {  	[sflag:s2] =	ssyncadd.s32 @p1 $0xFFFFFA00;
	s2 =	rddreg [dreg:$0xc]  }
0x98: {  	s3 =	simm.s32 @!p0 $0x7;
	s0 =	rddreg [dreg:$0x8];
	s2 =	sor.u32 @!p0 $0x1C07, s2  }
0x99: {  	[hbm:s1], [sflag:s2] =	dma.local @!p0 [hbm:s0], $0x200  }
0x9a: {  	_ =	swait.ge @!p0 [sflag:s3], $0x200  }
0x9b: {  	[sflag:s3] =	ssyncset.done @!p0 $0x0  }
0x9c: {  	[sflag:s3] =	ssyncadd.s32 @!p0 $0xFFFFFE00  }
0x9d: {  	_ =	sfence.sel $0x180000  }
0x9e: {  	[bflag:$0x0] =	sbarrier.arrive $0xFFFF  }
0x9f: {  	p0 =	sne.s32 s25, $0x0;
	_ =	strace $0x90000047  }
0xa0: {  	s0 =	sadd.s32 @!p0 $0x100000, s24;
	[bflag:$0x2] =	sbarrier.arrive $0xFFFF  }
0xa1: {  	[sflag:s0] =	ssyncadd.tile.s32 @!p0 $0x1;
	_ =	shalt  }
.LBB2_1:
.Ltmp3:
0xa2: {  	(pc) =	sbr.rel .LBB2_6-.Ltmp3, $2  }
0xa3: {  	_ =	sdelay $0x2  }
0xa4: {  	_ = 	snop  }
.LBB2_3:
.Ltmp4:
0xa5: {  	(pc) =	sbr.rel .LBB2_6-.Ltmp4, $2  }
0xa6: {  	_ =	sdelay $0x2  }
0xa7: {  	s24 =	rddreg [dreg:$0x7];
	s25 =	stileid.u32  }
.Lfunc_end2:
_tile_overlayer_lowered:
.L_overlay_start_2:
0xa8: {  	(tag) =	ssettag $0x2  }
0xa9: {  	s0 =	rddreg [dreg:$0x0];
	s2 =	stileid.u32  }
0xaa: {  	s1 =	rddreg [dreg:$0x1];
	p0 =	sne.s32 s2, $0x0  }
0xab: {  	s3 =	rddreg [dreg:$0x2];
	[bflag:$0x3] =	sbarrier.arrive $0xFFFF;
	s2 =	simm.s32 @!p0 $0x1C08  }
0xac: {  	[timem:s3], [sflag:s2] =	dma.local @!p0 [hbm:s0], s1  }
0xad: {  	s0 =	simm.s32 @!p0 $0x8  }
0xae: {  	_ =	swait.ge @!p0 [sflag:s0], s1  }
0xaf: {  	s1 =	ssub.s32 @!p0 $0x0, s1;
	[sflag:s0] =	ssyncset.done @!p0 $0x0  }
0xb0: {  	[sflag:s0] =	ssyncadd.s32 @!p0 s1  }
0xb1: {  	[bflag:$0x3] =	sbarrier.arrive $0xFFFF  }
0xb2: {  	_ =	shalt  }

</sc_bundles>
